<compile_context>
chip_gen: v7x
topology: tpu7x:2x2x1
jax: 0.10.2.dev20260603
libtpu: 0.0.44.dev20260713+nightly
codegen_flags: <defaults>
</compile_context>

<pallas_src>
import functools

import jax
import jax.numpy as jnp
from jax import lax
from jax.experimental import pallas as pl
from jax.experimental.pallas import tpu as pltpu
from jax.experimental.pallas import tpu_sc as plsc

T = 196
B = 256
D = 768
NROWS = T * B
NW = 32
RPW = NROWS // NW
W = 32
NCH = RPW // W
NB = 4


def _idx_body(v_ref, out_ref, key_ref):
    v = v_ref[...]
    iota_t = lax.broadcasted_iota(jnp.int32, (T, B), 0)
    iota_b1 = lax.broadcasted_iota(jnp.int32, (1, B), 1)
    key_ref[...] = (v * jnp.float32(8388608.0)).astype(jnp.int32) * 256 + iota_t

    def rank_row(key, i):
        ki = key_ref[pl.ds(i, 1), :]
        neg_rank = jnp.sum((key - ki) >> 31, axis=0, keepdims=True)
        out_ref[pl.ds(i, 1), :] = neg_rank * (-B) + iota_b1

    def body(i2, _):
        key = key_ref[...]
        for u in range(7):
            rank_row(key, i2 * 7 + u)
        return 0

    lax.fori_loop(0, T // 7, body, 0)


_idx_call = pl.pallas_call(
    _idx_body,
    out_shape=jax.ShapeDtypeStruct((T, B), jnp.int32),
    scratch_shapes=[pltpu.VMEM((T, B), jnp.int32)],
)


@functools.lru_cache(maxsize=1)
def _make_sc_scatter():
    mesh = plsc.VectorSubcoreMesh(core_axis_name="c", subcore_axis_name="s")

    @functools.partial(
        pl.kernel,
        mesh=mesh,
        out_type=jax.ShapeDtypeStruct((NROWS, D), jnp.float32),
        scratch_types=[
            pltpu.VMEM((NCH, W), jnp.int32),
            pltpu.VMEM((NB, W, D), jnp.float32),
            pltpu.SemaphoreType.DMA((NB,)),
            pltpu.SemaphoreType.DMA((NB,)),
        ],
    )
    def sc_scatter(x_hbm, idx_hbm, out_hbm, idx_v, bufs, semg, semw):
        c = lax.axis_index("c")
        s = lax.axis_index("s")
        wid = s * 2 + c
        base = wid * RPW
        pltpu.sync_copy(idx_hbm.at[wid], idx_v)

        def read(j, b):
            return pltpu.make_async_copy(
                x_hbm.at[pl.ds(base + j * W, W)], bufs.at[b], semg.at[b])

        def write(j, b):
            return pltpu.make_async_copy(
                bufs.at[b], out_hbm.at[idx_v.at[j]], semw.at[b])

        for k in range(2):
            read(k, k).start()

        def body(j, _):
            b = lax.rem(j, NB)
            bn = lax.rem(j + 2, NB)

            @pl.when(j >= 2)
            def _():
                write(j - 2, bn).wait()

            @pl.when(j + 2 < NCH)
            def _():
                read(j + 2, bn).start()

            read(j, b).wait()
            write(j, b).start()
            return 0

        lax.fori_loop(0, NCH, body, 0)
        write(NCH - 2, (NCH - 2) % NB).wait()
        write(NCH - 1, (NCH - 1) % NB).wait()

    return sc_scatter


def kernel(x, rand_vals):
    dst = _idx_call(rand_vals)
    idx3 = dst.reshape(NW, NCH, W)
    out2d = _make_sc_scatter()(x.reshape(NROWS, D), idx3)
    return out2d.reshape(T, B, D)

# --- scband reference (transcript-rebuilt; emitter-appended) ---
"""Pipeline reference for scband-card-shuffler-40862318854963 (READ-ONLY COPY).

The authoritative reference and input builder live on the scoring server;
editing this copy changes nothing except your own understanding.
"""

import jax, jax.numpy as jnp
import numpy as np

TOKEN_N = 196
RATIO = 0.75
MASK_N = int(RATIO * TOKEN_N)


def setup_inputs(seed: int = 0) -> dict:
    key = jax.random.key(seed)
    k1, k2 = jax.random.split(key)
    x = jax.random.normal(k1, (TOKEN_N, 256, 768), dtype=jnp.float32)
    rand_vals = jax.random.uniform(k2, (TOKEN_N, 256), dtype=jnp.float32)
    return {"x": x, "rand_vals": rand_vals}


def reference(x, rand_vals):
    # init_rand_idx: torch.rand(token_n, batch).argsort(dim=0)
    rand_idx = jnp.argsort(rand_vals, axis=0)  # [T, B], a permutation per batch column
    # shuffle: x.gather(0, rand_idx.unsqueeze(-1).expand_as(x))
    idx = jnp.broadcast_to(rand_idx[:, :, None], x.shape)
    shuffled = jnp.take_along_axis(x, idx, axis=0)
    return shuffled

if __name__ == "__main__":
    import jax
    _d = setup_inputs()
    print(jax.jit(kernel)(*tuple(_d.values())))

</pallas_src>

<mosaic_0001>
#map = affine_map<(d0, d1) -> (0, 0)>
#map1 = affine_map<(d0, d1) -> (0, 0, 0)>
module attributes {stable_mosaic.version = 14 : i64} {
  func.func @sc_scatter(%arg0: i32, %arg1: i32, %arg2: memref<50176x768xf32, #tpu.memory_space<hbm>>, %arg3: memref<32x49x32xi32, #tpu.memory_space<hbm>>, %arg4: memref<50176x768xf32, #tpu.memory_space<hbm>>, %arg5: memref<49x32xi32, #tpu.memory_space<vmem>>, %arg6: memref<4x32x768xf32, #tpu.memory_space<vmem>>, %arg7: memref<4x!tpu.dma_semaphore, #tpu.memory_space<semaphore_mem>>, %arg8: memref<4x!tpu.dma_semaphore, #tpu.memory_space<semaphore_mem>>) attributes {dimension_semantics = [#tpu.dimension_semantics<core_parallel>, #tpu.dimension_semantics<subcore_parallel>], iteration_bounds = array<i64: 2, 16>, scalar_prefetch = 0 : i64, scratch_operands = 4 : i64, tpu.core_type = #tpu.core_type<sc_vector_subcore>, window_params = [{transform_indices = #map}, {transform_indices = #map1}, {transform_indices = #map}]} {
    %mul3A = arith.constant 2 : i32
    %mul3A_0 = arith.muli %arg1, %mul3A : i32
    %add3A = arith.addi %mul3A_0, %arg0 : i32
    %mul3A_1 = arith.constant 1568 : i32
    %mul3A_2 = arith.muli %add3A, %mul3A_1 : i32
    "tpu.region"() ({
      %run_scoped3A = tpu.sem_alloc : memref<!tpu.dma_semaphore, #tpu.memory_space<semaphore_mem>>
      %dma_start3A_73 = arith.constant 0 : i32
      %dma_start3A_74 = arith.constant 0 : i32
      %dma_start3A_75 = tpu.memref_slice %arg3[%add3A, %dma_start3A_73, %dma_start3A_74] : memref<32x49x32xi32, #tpu.memory_space<hbm>> -> memref<1x49x32xi32, #tpu.memory_space<hbm>>
      %dma_start3A_76 = tpu.memref_squeeze %dma_start3A_75 : memref<1x49x32xi32, #tpu.memory_space<hbm>> -> memref<49x32xi32, #tpu.memory_space<hbm>>
      %dma_start3A_77 = arith.constant 0 : i32
      %dma_start3A_78 = arith.constant 0 : i32
      %dma_start3A_79 = tpu.memref_slice %arg3[%add3A, %dma_start3A_77, %dma_start3A_78] : memref<32x49x32xi32, #tpu.memory_space<hbm>> -> memref<1x49x32xi32, #tpu.memory_space<hbm>>
      %dma_start3A_80 = tpu.memref_squeeze %dma_start3A_79 : memref<1x49x32xi32, #tpu.memory_space<hbm>> -> memref<49x32xi32, #tpu.memory_space<hbm>>
      tpu.enqueue_dma source(%dma_start3A_80 : memref<49x32xi32, #tpu.memory_space<hbm>>) target(%arg5 : memref<49x32xi32, #tpu.memory_space<vmem>>) target_semaphore(%run_scoped3A : memref<!tpu.dma_semaphore, #tpu.memory_space<semaphore_mem>>)
      %dma_wait3A_81 = arith.constant 0 : i32
      %dma_wait3A_82 = arith.constant 0 : i32
      %dma_wait3A_83 = tpu.memref_slice %arg3[%add3A, %dma_wait3A_81, %dma_wait3A_82] : memref<32x49x32xi32, #tpu.memory_space<hbm>> -> memref<1x49x32xi32, #tpu.memory_space<hbm>>
      %dma_wait3A_84 = tpu.memref_squeeze %dma_wait3A_83 : memref<1x49x32xi32, #tpu.memory_space<hbm>> -> memref<49x32xi32, #tpu.memory_space<hbm>>
      %dma_wait3A_85 = arith.constant 0 : i32
      %dma_wait3A_86 = arith.constant 0 : i32
      %dma_wait3A_87 = tpu.memref_slice %arg3[%add3A, %dma_wait3A_85, %dma_wait3A_86] : memref<32x49x32xi32, #tpu.memory_space<hbm>> -> memref<1x49x32xi32, #tpu.memory_space<hbm>>
      %dma_wait3A_88 = tpu.memref_squeeze %dma_wait3A_87 : memref<1x49x32xi32, #tpu.memory_space<hbm>> -> memref<49x32xi32, #tpu.memory_space<hbm>>
      tpu.wait_dma2 semaphore(%run_scoped3A : memref<!tpu.dma_semaphore, #tpu.memory_space<semaphore_mem>>) src(%dma_wait3A_88 : memref<49x32xi32, #tpu.memory_space<hbm>>) dst(%arg5 : memref<49x32xi32, #tpu.memory_space<vmem>>)
      tpu.yield
    }) : () -> ()
    %add3A_3 = arith.constant 0 : i32
    %add3A_4 = arith.addi %mul3A_2, %add3A_3 : i32
    %dma_start3A = arith.constant 0 : i32
    %dma_start3A_5 = arith.constant 0 : i32
    %dma_start3A_6 = arith.constant 0 : i32
    %dma_start3A_7 = arith.constant 0 : i32
    %dma_start3A_8 = tpu.memref_slice %arg6[%dma_start3A, %dma_start3A_6, %dma_start3A_7] : memref<4x32x768xf32, #tpu.memory_space<vmem>> -> memref<1x32x768xf32, #tpu.memory_space<vmem>>
    %dma_start3A_9 = tpu.memref_squeeze %dma_start3A_8 : memref<1x32x768xf32, #tpu.memory_space<vmem>> -> memref<32x768xf32, #tpu.memory_space<vmem>>
    %dma_start3A_10 = arith.constant 0 : i32
    %dma_start3A_11 = tpu.memref_slice %arg2[%add3A_4, %dma_start3A_10] : memref<50176x768xf32, #tpu.memory_space<hbm>> -> memref<32x768xf32, #tpu.memory_space<hbm>>
    %dma_start3A_12 = tpu.memref_slice %arg7[%dma_start3A_5] : memref<4x!tpu.dma_semaphore, #tpu.memory_space<semaphore_mem>> -> memref<1x!tpu.dma_semaphore, #tpu.memory_space<semaphore_mem>>
    %dma_start3A_13 = tpu.memref_squeeze %dma_start3A_12 : memref<1x!tpu.dma_semaphore, #tpu.memory_space<semaphore_mem>> -> memref<!tpu.dma_semaphore, #tpu.memory_space<semaphore_mem>>
    %dma_start3A_14 = arith.constant 0 : i32
    %dma_start3A_15 = arith.constant 0 : i32
    %dma_start3A_16 = tpu.memref_slice %arg6[%dma_start3A, %dma_start3A_14, %dma_start3A_15] : memref<4x32x768xf32, #tpu.memory_space<vmem>> -> memref<1x32x768xf32, #tpu.memory_space<vmem>>
    %dma_start3A_17 = tpu.memref_squeeze %dma_start3A_16 : memref<1x32x768xf32, #tpu.memory_space<vmem>> -> memref<32x768xf32, #tpu.memory_space<vmem>>
    %dma_start3A_18 = arith.constant 0 : i32
    %dma_start3A_19 = tpu.memref_slice %arg2[%add3A_4, %dma_start3A_18] : memref<50176x768xf32, #tpu.memory_space<hbm>> -> memref<32x768xf32, #tpu.memory_space<hbm>>
    tpu.enqueue_dma source(%dma_start3A_19 : memref<32x768xf32, #tpu.memory_space<hbm>>) target(%dma_start3A_17 : memref<32x768xf32, #tpu.memory_space<vmem>>) target_semaphore(%dma_start3A_13 : memref<!tpu.dma_semaphore, #tpu.memory_space<semaphore_mem>>)
    %add3A_20 = arith.constant 32 : i32
    %add3A_21 = arith.addi %mul3A_2, %add3A_20 : i32
    %dma_start3A_22 = arith.constant 1 : i32
    %dma_start3A_23 = arith.constant 1 : i32
    %dma_start3A_24 = arith.constant 0 : i32
    %dma_start3A_25 = arith.constant 0 : i32
    %dma_start3A_26 = tpu.memref_slice %arg6[%dma_start3A_22, %dma_start3A_24, %dma_start3A_25] : memref<4x32x768xf32, #tpu.memory_space<vmem>> -> memref<1x32x768xf32, #tpu.memory_space<vmem>>
    %dma_start3A_27 = tpu.memref_squeeze %dma_start3A_26 : memref<1x32x768xf32, #tpu.memory_space<vmem>> -> memref<32x768xf32, #tpu.memory_space<vmem>>
    %dma_start3A_28 = arith.constant 0 : i32
    %dma_start3A_29 = tpu.memref_slice %arg2[%add3A_21, %dma_start3A_28] : memref<50176x768xf32, #tpu.memory_space<hbm>> -> memref<32x768xf32, #tpu.memory_space<hbm>>
    %dma_start3A_30 = tpu.memref_slice %arg7[%dma_start3A_23] : memref<4x!tpu.dma_semaphore, #tpu.memory_space<semaphore_mem>> -> memref<1x!tpu.dma_semaphore, #tpu.memory_space<semaphore_mem>>
    %dma_start3A_31 = tpu.memref_squeeze %dma_start3A_30 : memref<1x!tpu.dma_semaphore, #tpu.memory_space<semaphore_mem>> -> memref<!tpu.dma_semaphore, #tpu.memory_space<semaphore_mem>>
    %dma_start3A_32 = arith.constant 0 : i32
    %dma_start3A_33 = arith.constant 0 : i32
    %dma_start3A_34 = tpu.memref_slice %arg6[%dma_start3A_22, %dma_start3A_32, %dma_start3A_33] : memref<4x32x768xf32, #tpu.memory_space<vmem>> -> memref<1x32x768xf32, #tpu.memory_space<vmem>>
    %dma_start3A_35 = tpu.memref_squeeze %dma_start3A_34 : memref<1x32x768xf32, #tpu.memory_space<vmem>> -> memref<32x768xf32, #tpu.memory_space<vmem>>
    %dma_start3A_36 = arith.constant 0 : i32
    %dma_start3A_37 = tpu.memref_slice %arg2[%add3A_21, %dma_start3A_36] : memref<50176x768xf32, #tpu.memory_space<hbm>> -> memref<32x768xf32, #tpu.memory_space<hbm>>
    tpu.enqueue_dma source(%dma_start3A_37 : memref<32x768xf32, #tpu.memory_space<hbm>>) target(%dma_start3A_35 : memref<32x768xf32, #tpu.memory_space<vmem>>) target_semaphore(%dma_start3A_31 : memref<!tpu.dma_semaphore, #tpu.memory_space<semaphore_mem>>)
    %scan3A = arith.constant 0 : i32
    %scan3A_38 = arith.constant 0 : i32
    %scan3A_39 = arith.constant 49 : i32
    %scan3A_40 = arith.addi %scan3A_38, %scan3A_39 : i32
    %scan3A_41 = arith.constant 1 : i32
    %scan3A_42 = scf.for %scan3A_73 = %scan3A_38 to %scan3A_40 step %scan3A_41 iter_args(%scan3A_74 = %scan3A) -> (i32)  : i32 {
      %rem3A = arith.constant 4 : i32
      %rem3A_75 = arith.remsi %scan3A_73, %rem3A : i32
      %add3A_76 = arith.constant 2 : i32
      %add3A_77 = arith.addi %scan3A_73, %add3A_76 : i32
      %rem3A_78 = arith.constant 4 : i32
      %rem3A_79 = arith.remsi %add3A_77, %rem3A_78 : i32
      %ge3A = arith.constant 2 : i32
      %ge3A_80 = arith.cmpi sge, %scan3A_73, %ge3A : i32
      %convert_element_type3A = arith.extui %ge3A_80 : i1 to i32
      %cond3A = arith.constant 0 : i32
      %cond3A_81 = arith.cmpi ne, %convert_element_type3A, %cond3A : i32
      scf.if %cond3A_81 {
        %sub3A = arith.constant 2 : i32
        %sub3A_118 = arith.subi %scan3A_73, %sub3A : i32
        %dma_wait3A_119 = arith.constant 0 : i32
        %dma_wait3A_120 = arith.constant 0 : i32
        %dma_wait3A_121 = tpu.memref_slice %arg6[%rem3A_79, %dma_wait3A_119, %dma_wait3A_120] : memref<4x32x768xf32, #tpu.memory_space<vmem>> -> memref<1x32x768xf32, #tpu.memory_space<vmem>>
        %dma_wait3A_122 = tpu.memref_squeeze %dma_wait3A_121 : memref<1x32x768xf32, #tpu.memory_space<vmem>> -> memref<32x768xf32, #tpu.memory_space<vmem>>
        %dma_wait3A_123 = arith.constant 0 : i32
        %dma_wait3A_124 = tpu.memref_slice %arg5[%sub3A_118, %dma_wait3A_123] : memref<49x32xi32, #tpu.memory_space<vmem>> -> memref<1x32xi32, #tpu.memory_space<vmem>>
        %dma_wait3A_125 = tpu.memref_squeeze %dma_wait3A_124 : memref<1x32xi32, #tpu.memory_space<vmem>> -> memref<32xi32, #tpu.memory_space<vmem>>
        %dma_wait3A_126 = arith.constant 0 : i32
        %dma_wait3A_127 = arith.constant 0 : i32
        %dma_wait3A_128 = tpu.memref_slice %arg4[%dma_wait3A_126, %dma_wait3A_127] : memref<50176x768xf32, #tpu.memory_space<hbm>> -> memref<50176x768xf32, #tpu.memory_space<hbm>>
        %dma_wait3A_129 = tpu.memref_slice %arg8[%rem3A_79] : memref<4x!tpu.dma_semaphore, #tpu.memory_space<semaphore_mem>> -> memref<1x!tpu.dma_semaphore, #tpu.memory_space<semaphore_mem>>
        %dma_wait3A_130 = tpu.memref_squeeze %dma_wait3A_129 : memref<1x!tpu.dma_semaphore, #tpu.memory_space<semaphore_mem>> -> memref<!tpu.dma_semaphore, #tpu.memory_space<semaphore_mem>>
        tpu.wait_indirect_dma semaphore(%dma_wait3A_130 : memref<!tpu.dma_semaphore, #tpu.memory_space<semaphore_mem>>) src(%dma_wait3A_122 : memref<32x768xf32, #tpu.memory_space<vmem>>) dst(%dma_wait3A_128 : memref<50176x768xf32, #tpu.memory_space<hbm>>)
      } else {
      }
      %add3A_82 = arith.constant 2 : i32
      %add3A_83 = arith.addi %scan3A_73, %add3A_82 : i32
      %lt3A = arith.constant 49 : i32
      %lt3A_84 = arith.cmpi slt, %add3A_83, %lt3A : i32
      %convert_element_type3A_85 = arith.extui %lt3A_84 : i1 to i32
      %cond3A_86 = arith.constant 0 : i32
      %cond3A_87 = arith.cmpi ne, %convert_element_type3A_85, %cond3A_86 : i32
      scf.if %cond3A_87 {
        %add3A_118 = arith.constant 2 : i32
        %add3A_119 = arith.addi %scan3A_73, %add3A_118 : i32
        %mul3A_120 = arith.constant 32 : i32
        %mul3A_121 = arith.muli %add3A_119, %mul3A_120 : i32
        %add3A_122 = arith.addi %mul3A_2, %mul3A_121 : i32
        %dma_start3A_123 = arith.constant 0 : i32
        %dma_start3A_124 = arith.constant 0 : i32
        %dma_start3A_125 = tpu.memref_slice %arg6[%rem3A_79, %dma_start3A_123, %dma_start3A_124] : memref<4x32x768xf32, #tpu.memory_space<vmem>> -> memref<1x32x768xf32, #tpu.memory_space<vmem>>
        %dma_start3A_126 = tpu.memref_squeeze %dma_start3A_125 : memref<1x32x768xf32, #tpu.memory_space<vmem>> -> memref<32x768xf32, #tpu.memory_space<vmem>>
        %dma_start3A_127 = arith.constant 0 : i32
        %dma_start3A_128 = tpu.memref_slice %arg2[%add3A_122, %dma_start3A_127] : memref<50176x768xf32, #tpu.memory_space<hbm>> -> memref<32x768xf32, #tpu.memory_space<hbm>>
        %dma_start3A_129 = tpu.memref_slice %arg7[%rem3A_79] : memref<4x!tpu.dma_semaphore, #tpu.memory_space<semaphore_mem>> -> memref<1x!tpu.dma_semaphore, #tpu.memory_space<semaphore_mem>>
        %dma_start3A_130 = tpu.memref_squeeze %dma_start3A_129 : memref<1x!tpu.dma_semaphore, #tpu.memory_space<semaphore_mem>> -> memref<!tpu.dma_semaphore, #tpu.memory_space<semaphore_mem>>
        %dma_start3A_131 = arith.constant 0 : i32
        %dma_start3A_132 = arith.constant 0 : i32
        %dma_start3A_133 = tpu.memref_slice %arg6[%rem3A_79, %dma_start3A_131, %dma_start3A_132] : memref<4x32x768xf32, #tpu.memory_space<vmem>> -> memref<1x32x768xf32, #tpu.memory_space<vmem>>
        %dma_start3A_134 = tpu.memref_squeeze %dma_start3A_133 : memref<1x32x768xf32, #tpu.memory_space<vmem>> -> memref<32x768xf32, #tpu.memory_space<vmem>>
        %dma_start3A_135 = arith.constant 0 : i32
        %dma_start3A_136 = tpu.memref_slice %arg2[%add3A_122, %dma_start3A_135] : memref<50176x768xf32, #tpu.memory_space<hbm>> -> memref<32x768xf32, #tpu.memory_space<hbm>>
        tpu.enqueue_dma source(%dma_start3A_136 : memref<32x768xf32, #tpu.memory_space<hbm>>) target(%dma_start3A_134 : memref<32x768xf32, #tpu.memory_space<vmem>>) target_semaphore(%dma_start3A_130 : memref<!tpu.dma_semaphore, #tpu.memory_space<semaphore_mem>>)
      } else {
      }
      %mul3A_88 = arith.constant 32 : i32
      %mul3A_89 = arith.muli %scan3A_73, %mul3A_88 : i32
      %add3A_90 = arith.addi %mul3A_2, %mul3A_89 : i32
      %dma_wait3A_91 = arith.constant 0 : i32
      %dma_wait3A_92 = arith.constant 0 : i32
      %dma_wait3A_93 = tpu.memref_slice %arg6[%rem3A_75, %dma_wait3A_91, %dma_wait3A_92] : memref<4x32x768xf32, #tpu.memory_space<vmem>> -> memref<1x32x768xf32, #tpu.memory_space<vmem>>
      %dma_wait3A_94 = tpu.memref_squeeze %dma_wait3A_93 : memref<1x32x768xf32, #tpu.memory_space<vmem>> -> memref<32x768xf32, #tpu.memory_space<vmem>>
      %dma_wait3A_95 = arith.constant 0 : i32
      %dma_wait3A_96 = tpu.memref_slice %arg2[%add3A_90, %dma_wait3A_95] : memref<50176x768xf32, #tpu.memory_space<hbm>> -> memref<32x768xf32, #tpu.memory_space<hbm>>
      %dma_wait3A_97 = tpu.memref_slice %arg7[%rem3A_75] : memref<4x!tpu.dma_semaphore, #tpu.memory_space<semaphore_mem>> -> memref<1x!tpu.dma_semaphore, #tpu.memory_space<semaphore_mem>>
      %dma_wait3A_98 = tpu.memref_squeeze %dma_wait3A_97 : memref<1x!tpu.dma_semaphore, #tpu.memory_space<semaphore_mem>> -> memref<!tpu.dma_semaphore, #tpu.memory_space<semaphore_mem>>
      %dma_wait3A_99 = arith.constant 0 : i32
      %dma_wait3A_100 = arith.constant 0 : i32
      %dma_wait3A_101 = tpu.memref_slice %arg6[%rem3A_75, %dma_wait3A_99, %dma_wait3A_100] : memref<4x32x768xf32, #tpu.memory_space<vmem>> -> memref<1x32x768xf32, #tpu.memory_space<vmem>>
      %dma_wait3A_102 = tpu.memref_squeeze %dma_wait3A_101 : memref<1x32x768xf32, #tpu.memory_space<vmem>> -> memref<32x768xf32, #tpu.memory_space<vmem>>
      %dma_wait3A_103 = arith.constant 0 : i32
      %dma_wait3A_104 = tpu.memref_slice %arg2[%add3A_90, %dma_wait3A_103] : memref<50176x768xf32, #tpu.memory_space<hbm>> -> memref<32x768xf32, #tpu.memory_space<hbm>>
      tpu.wait_dma2 semaphore(%dma_wait3A_98 : memref<!tpu.dma_semaphore, #tpu.memory_space<semaphore_mem>>) src(%dma_wait3A_104 : memref<32x768xf32, #tpu.memory_space<hbm>>) dst(%dma_wait3A_102 : memref<32x768xf32, #tpu.memory_space<vmem>>)
      %dma_start3A_105 = arith.constant 0 : i32
      %dma_start3A_106 = arith.constant 0 : i32
      %dma_start3A_107 = tpu.memref_slice %arg6[%rem3A_75, %dma_start3A_105, %dma_start3A_106] : memref<4x32x768xf32, #tpu.memory_space<vmem>> -> memref<1x32x768xf32, #tpu.memory_space<vmem>>
      %dma_start3A_108 = tpu.memref_squeeze %dma_start3A_107 : memref<1x32x768xf32, #tpu.memory_space<vmem>> -> memref<32x768xf32, #tpu.memory_space<vmem>>
      %dma_start3A_109 = arith.constant 0 : i32
      %dma_start3A_110 = tpu.memref_slice %arg5[%scan3A_73, %dma_start3A_109] : memref<49x32xi32, #tpu.memory_space<vmem>> -> memref<1x32xi32, #tpu.memory_space<vmem>>
      %dma_start3A_111 = tpu.memref_squeeze %dma_start3A_110 : memref<1x32xi32, #tpu.memory_space<vmem>> -> memref<32xi32, #tpu.memory_space<vmem>>
      %dma_start3A_112 = arith.constant 0 : i32
      %dma_start3A_113 = arith.constant 0 : i32
      %dma_start3A_114 = tpu.memref_slice %arg4[%dma_start3A_112, %dma_start3A_113] : memref<50176x768xf32, #tpu.memory_space<hbm>> -> memref<50176x768xf32, #tpu.memory_space<hbm>>
      %dma_start3A_115 = tpu.memref_slice %arg8[%rem3A_75] : memref<4x!tpu.dma_semaphore, #tpu.memory_space<semaphore_mem>> -> memref<1x!tpu.dma_semaphore, #tpu.memory_space<semaphore_mem>>
      %dma_start3A_116 = tpu.memref_squeeze %dma_start3A_115 : memref<1x!tpu.dma_semaphore, #tpu.memory_space<semaphore_mem>> -> memref<!tpu.dma_semaphore, #tpu.memory_space<semaphore_mem>>
      tpu.enqueue_indirect_dma source(%dma_start3A_108 : memref<32x768xf32, #tpu.memory_space<vmem>>) target(%dma_start3A_114 : memref<50176x768xf32, #tpu.memory_space<hbm>>) offsets(%dma_start3A_111 : memref<32xi32, #tpu.memory_space<vmem>>) semaphore(%dma_start3A_116 : memref<!tpu.dma_semaphore, #tpu.memory_space<semaphore_mem>>)
      %scan3A_117 = arith.constant 0 : i32
      scf.yield %scan3A_117 : i32
    }
    %scan3A_43 = arith.constant 49 : i32
    %dma_wait3A = arith.constant 3 : i32
    %dma_wait3A_44 = arith.constant 47 : i32
    %dma_wait3A_45 = arith.constant 3 : i32
    %dma_wait3A_46 = arith.constant 0 : i32
    %dma_wait3A_47 = arith.constant 0 : i32
    %dma_wait3A_48 = tpu.memref_slice %arg6[%dma_wait3A, %dma_wait3A_46, %dma_wait3A_47] : memref<4x32x768xf32, #tpu.memory_space<vmem>> -> memref<1x32x768xf32, #tpu.memory_space<vmem>>
    %dma_wait3A_49 = tpu.memref_squeeze %dma_wait3A_48 : memref<1x32x768xf32, #tpu.memory_space<vmem>> -> memref<32x768xf32, #tpu.memory_space<vmem>>
    %dma_wait3A_50 = arith.constant 0 : i32
    %dma_wait3A_51 = tpu.memref_slice %arg5[%dma_wait3A_44, %dma_wait3A_50] : memref<49x32xi32, #tpu.memory_space<vmem>> -> memref<1x32xi32, #tpu.memory_space<vmem>>
    %dma_wait3A_52 = tpu.memref_squeeze %dma_wait3A_51 : memref<1x32xi32, #tpu.memory_space<vmem>> -> memref<32xi32, #tpu.memory_space<vmem>>
    %dma_wait3A_53 = arith.constant 0 : i32
    %dma_wait3A_54 = arith.constant 0 : i32
    %dma_wait3A_55 = tpu.memref_slice %arg4[%dma_wait3A_53, %dma_wait3A_54] : memref<50176x768xf32, #tpu.memory_space<hbm>> -> memref<50176x768xf32, #tpu.memory_space<hbm>>
    %dma_wait3A_56 = tpu.memref_slice %arg8[%dma_wait3A_45] : memref<4x!tpu.dma_semaphore, #tpu.memory_space<semaphore_mem>> -> memref<1x!tpu.dma_semaphore, #tpu.memory_space<semaphore_mem>>
    %dma_wait3A_57 = tpu.memref_squeeze %dma_wait3A_56 : memref<1x!tpu.dma_semaphore, #tpu.memory_space<semaphore_mem>> -> memref<!tpu.dma_semaphore, #tpu.memory_space<semaphore_mem>>
    tpu.wait_indirect_dma semaphore(%dma_wait3A_57 : memref<!tpu.dma_semaphore, #tpu.memory_space<semaphore_mem>>) src(%dma_wait3A_49 : memref<32x768xf32, #tpu.memory_space<vmem>>) dst(%dma_wait3A_55 : memref<50176x768xf32, #tpu.memory_space<hbm>>)
    %dma_wait3A_58 = arith.constant 0 : i32
    %dma_wait3A_59 = arith.constant 48 : i32
    %dma_wait3A_60 = arith.constant 0 : i32
    %dma_wait3A_61 = arith.constant 0 : i32
    %dma_wait3A_62 = arith.constant 0 : i32
    %dma_wait3A_63 = tpu.memref_slice %arg6[%dma_wait3A_58, %dma_wait3A_61, %dma_wait3A_62] : memref<4x32x768xf32, #tpu.memory_space<vmem>> -> memref<1x32x768xf32, #tpu.memory_space<vmem>>
    %dma_wait3A_64 = tpu.memref_squeeze %dma_wait3A_63 : memref<1x32x768xf32, #tpu.memory_space<vmem>> -> memref<32x768xf32, #tpu.memory_space<vmem>>
    %dma_wait3A_65 = arith.constant 0 : i32
    %dma_wait3A_66 = tpu.memref_slice %arg5[%dma_wait3A_59, %dma_wait3A_65] : memref<49x32xi32, #tpu.memory_space<vmem>> -> memref<1x32xi32, #tpu.memory_space<vmem>>
    %dma_wait3A_67 = tpu.memref_squeeze %dma_wait3A_66 : memref<1x32xi32, #tpu.memory_space<vmem>> -> memref<32xi32, #tpu.memory_space<vmem>>
    %dma_wait3A_68 = arith.constant 0 : i32
    %dma_wait3A_69 = arith.constant 0 : i32
    %dma_wait3A_70 = tpu.memref_slice %arg4[%dma_wait3A_68, %dma_wait3A_69] : memref<50176x768xf32, #tpu.memory_space<hbm>> -> memref<50176x768xf32, #tpu.memory_space<hbm>>
    %dma_wait3A_71 = tpu.memref_slice %arg8[%dma_wait3A_60] : memref<4x!tpu.dma_semaphore, #tpu.memory_space<semaphore_mem>> -> memref<1x!tpu.dma_semaphore, #tpu.memory_space<semaphore_mem>>
    %dma_wait3A_72 = tpu.memref_squeeze %dma_wait3A_71 : memref<1x!tpu.dma_semaphore, #tpu.memory_space<semaphore_mem>> -> memref<!tpu.dma_semaphore, #tpu.memory_space<semaphore_mem>>
    tpu.wait_indirect_dma semaphore(%dma_wait3A_72 : memref<!tpu.dma_semaphore, #tpu.memory_space<semaphore_mem>>) src(%dma_wait3A_64 : memref<32x768xf32, #tpu.memory_space<vmem>>) dst(%dma_wait3A_70 : memref<50176x768xf32, #tpu.memory_space<hbm>>)
    return
  }
}

module attributes {stable_mosaic.version = 14 : i64} {
  func.func @_idx_body(%arg0: memref<196x256xf32, #tpu.memory_space<vmem>>, %arg1: memref<196x256xi32, #tpu.memory_space<vmem>>, %arg2: memref<196x256xi32, #tpu.memory_space<vmem>>) attributes {dimension_semantics = [], scalar_prefetch = 0 : i64, scratch_operands = 1 : i64, tpu.core_type = #tpu.core_type<tc>} {
    %get3A = arith.constant 0 : index
    %get3A_0 = arith.constant 0 : index
    %get3A_1 = vector.load %arg0[%get3A, %get3A_0] : memref<196x256xf32, #tpu.memory_space<vmem>>, vector<196x256xf32>
    %iota3A = tpu.iota {dimensions = array<i32: 0>} : vector<196x256xi32>
    %iota3A_2 = tpu.iota {dimensions = array<i32: 1>} : vector<1x256xi32>
    %mul3A = arith.constant 0x4B000000 : f32
    %mul3A_3 = vector.broadcast %mul3A : f32 to vector<196x256xf32>
    %mul3A_4 = arith.mulf %get3A_1, %mul3A_3 : vector<196x256xf32>
    %convert_element_type3A = arith.fptosi %mul3A_4 : vector<196x256xf32> to vector<196x256xi32>
    %mul3A_5 = arith.constant 256 : i32
    %mul3A_6 = vector.broadcast %mul3A_5 : i32 to vector<196x256xi32>
    %mul3A_7 = arith.muli %convert_element_type3A, %mul3A_6 : vector<196x256xi32>
    %add3A = arith.addi %mul3A_7, %iota3A : vector<196x256xi32>
    %swap3A = arith.constant 0 : index
    %swap3A_8 = arith.constant 0 : index
    %swap3A_9 = vector.load %arg2[%swap3A, %swap3A_8] : memref<196x256xi32, #tpu.memory_space<vmem>>, vector<196x256xi32>
    tpu.vector_store %arg2[%swap3A, %swap3A_8], %add3A {strides = array<i32>} : memref<196x256xi32, #tpu.memory_space<vmem>>, vector<196x256xi32>,
    %scan3A = arith.constant 0 : i32
    %scan3A_10 = arith.constant 28 : i32
    %scan3A_11 = arith.addi %scan3A, %scan3A_10 : i32
    %scan3A_12 = arith.constant 1 : i32
    scf.for %scan3A_14 = %scan3A to %scan3A_11 step %scan3A_12  : i32 {
      %get3A_15 = arith.constant 0 : index
      %get3A_16 = arith.constant 0 : index
      %get3A_17 = vector.load %arg2[%get3A_15, %get3A_16] : memref<196x256xi32, #tpu.memory_space<vmem>>, vector<196x256xi32>
      %mul3A_18 = arith.constant 7 : i32
      %mul3A_19 = arith.muli %scan3A_14, %mul3A_18 : i32
      %add3A_20 = arith.constant 0 : i32
      %add3A_21 = arith.addi %mul3A_19, %add3A_20 : i32
      %get3A_22 = arith.index_cast %add3A_21 : i32 to index
      %get3A_23 = arith.constant 0 : index
      %get3A_24 = vector.load %arg2[%get3A_22, %get3A_23] : memref<196x256xi32, #tpu.memory_space<vmem>>, vector<1x256xi32>
      %sub3A = vector.broadcast %get3A_24 : vector<1x256xi32> to vector<196x256xi32>
      %sub3A_25 = arith.subi %get3A_17, %sub3A : vector<196x256xi32>
      %shift_right_arithmetic3A = arith.constant 31 : i32
      %shift_right_arithmetic3A_26 = vector.broadcast %shift_right_arithmetic3A : i32 to vector<196x256xi32>
      %shift_right_arithmetic3A_27 = arith.shrsi %sub3A_25, %shift_right_arithmetic3A_26 : vector<196x256xi32>
      %reduce_sum3A = arith.constant dense<0> : vector<256xi32>
      %reduce_sum3A_28 = vector.multi_reduction <add>, %shift_right_arithmetic3A_27, %reduce_sum3A [0] : vector<196x256xi32> to vector<256xi32>
      %broadcast_in_dim3A = vector.shape_cast %reduce_sum3A_28 : vector<256xi32> to vector<1x256xi32>
      %mul3A_29 = arith.constant -256 : i32
      %mul3A_30 = vector.broadcast %mul3A_29 : i32 to vector<1x256xi32>
      %mul3A_31 = arith.muli %broadcast_in_dim3A, %mul3A_30 : vector<1x256xi32>
      %add3A_32 = arith.addi %mul3A_31, %iota3A_2 : vector<1x256xi32>
      %swap3A_33 = arith.index_cast %add3A_21 : i32 to index
      %swap3A_34 = arith.constant 0 : index
      %swap3A_35 = vector.load %arg1[%swap3A_33, %swap3A_34] : memref<196x256xi32, #tpu.memory_space<vmem>>, vector<1x256xi32>
      tpu.vector_store %arg1[%swap3A_33, %swap3A_34], %add3A_32 {strides = array<i32>} : memref<196x256xi32, #tpu.memory_space<vmem>>, vector<1x256xi32>,
      %mul3A_36 = arith.constant 7 : i32
      %mul3A_37 = arith.muli %scan3A_14, %mul3A_36 : i32
      %add3A_38 = arith.constant 1 : i32
      %add3A_39 = arith.addi %mul3A_37, %add3A_38 : i32
      %get3A_40 = arith.index_cast %add3A_39 : i32 to index
      %get3A_41 = arith.constant 0 : index
      %get3A_42 = vector.load %arg2[%get3A_40, %get3A_41] : memref<196x256xi32, #tpu.memory_space<vmem>>, vector<1x256xi32>
      %sub3A_43 = vector.broadcast %get3A_42 : vector<1x256xi32> to vector<196x256xi32>
      %sub3A_44 = arith.subi %get3A_17, %sub3A_43 : vector<196x256xi32>
      %shift_right_arithmetic3A_45 = arith.constant 31 : i32
      %shift_right_arithmetic3A_46 = vector.broadcast %shift_right_arithmetic3A_45 : i32 to vector<196x256xi32>
      %shift_right_arithmetic3A_47 = arith.shrsi %sub3A_44, %shift_right_arithmetic3A_46 : vector<196x256xi32>
      %reduce_sum3A_48 = arith.constant dense<0> : vector<256xi32>
      %reduce_sum3A_49 = vector.multi_reduction <add>, %shift_right_arithmetic3A_47, %reduce_sum3A_48 [0] : vector<196x256xi32> to vector<256xi32>
      %broadcast_in_dim3A_50 = vector.shape_cast %reduce_sum3A_49 : vector<256xi32> to vector<1x256xi32>
      %mul3A_51 = arith.constant -256 : i32
      %mul3A_52 = vector.broadcast %mul3A_51 : i32 to vector<1x256xi32>
      %mul3A_53 = arith.muli %broadcast_in_dim3A_50, %mul3A_52 : vector<1x256xi32>
      %add3A_54 = arith.addi %mul3A_53, %iota3A_2 : vector<1x256xi32>
      %swap3A_55 = arith.index_cast %add3A_39 : i32 to index
      %swap3A_56 = arith.constant 0 : index
      %swap3A_57 = vector.load %arg1[%swap3A_55, %swap3A_56] : memref<196x256xi32, #tpu.memory_space<vmem>>, vector<1x256xi32>
      tpu.vector_store %arg1[%swap3A_55, %swap3A_56], %add3A_54 {strides = array<i32>} : memref<196x256xi32, #tpu.memory_space<vmem>>, vector<1x256xi32>,
      %mul3A_58 = arith.constant 7 : i32
      %mul3A_59 = arith.muli %scan3A_14, %mul3A_58 : i32
      %add3A_60 = arith.constant 2 : i32
      %add3A_61 = arith.addi %mul3A_59, %add3A_60 : i32
      %get3A_62 = arith.index_cast %add3A_61 : i32 to index
      %get3A_63 = arith.constant 0 : index
      %get3A_64 = vector.load %arg2[%get3A_62, %get3A_63] : memref<196x256xi32, #tpu.memory_space<vmem>>, vector<1x256xi32>
      %sub3A_65 = vector.broadcast %get3A_64 : vector<1x256xi32> to vector<196x256xi32>
      %sub3A_66 = arith.subi %get3A_17, %sub3A_65 : vector<196x256xi32>
      %shift_right_arithmetic3A_67 = arith.constant 31 : i32
      %shift_right_arithmetic3A_68 = vector.broadcast %shift_right_arithmetic3A_67 : i32 to vector<196x256xi32>
      %shift_right_arithmetic3A_69 = arith.shrsi %sub3A_66, %shift_right_arithmetic3A_68 : vector<196x256xi32>
      %reduce_sum3A_70 = arith.constant dense<0> : vector<256xi32>
      %reduce_sum3A_71 = vector.multi_reduction <add>, %shift_right_arithmetic3A_69, %reduce_sum3A_70 [0] : vector<196x256xi32> to vector<256xi32>
      %broadcast_in_dim3A_72 = vector.shape_cast %reduce_sum3A_71 : vector<256xi32> to vector<1x256xi32>
      %mul3A_73 = arith.constant -256 : i32
      %mul3A_74 = vector.broadcast %mul3A_73 : i32 to vector<1x256xi32>
      %mul3A_75 = arith.muli %broadcast_in_dim3A_72, %mul3A_74 : vector<1x256xi32>
      %add3A_76 = arith.addi %mul3A_75, %iota3A_2 : vector<1x256xi32>
      %swap3A_77 = arith.index_cast %add3A_61 : i32 to index
      %swap3A_78 = arith.constant 0 : index
      %swap3A_79 = vector.load %arg1[%swap3A_77, %swap3A_78] : memref<196x256xi32, #tpu.memory_space<vmem>>, vector<1x256xi32>
      tpu.vector_store %arg1[%swap3A_77, %swap3A_78], %add3A_76 {strides = array<i32>} : memref<196x256xi32, #tpu.memory_space<vmem>>, vector<1x256xi32>,
      %mul3A_80 = arith.constant 7 : i32
      %mul3A_81 = arith.muli %scan3A_14, %mul3A_80 : i32
      %add3A_82 = arith.constant 3 : i32
      %add3A_83 = arith.addi %mul3A_81, %add3A_82 : i32
      %get3A_84 = arith.index_cast %add3A_83 : i32 to index
      %get3A_85 = arith.constant 0 : index
      %get3A_86 = vector.load %arg2[%get3A_84, %get3A_85] : memref<196x256xi32, #tpu.memory_space<vmem>>, vector<1x256xi32>
      %sub3A_87 = vector.broadcast %get3A_86 : vector<1x256xi32> to vector<196x256xi32>
      %sub3A_88 = arith.subi %get3A_17, %sub3A_87 : vector<196x256xi32>
      %shift_right_arithmetic3A_89 = arith.constant 31 : i32
      %shift_right_arithmetic3A_90 = vector.broadcast %shift_right_arithmetic3A_89 : i32 to vector<196x256xi32>
      %shift_right_arithmetic3A_91 = arith.shrsi %sub3A_88, %shift_right_arithmetic3A_90 : vector<196x256xi32>
      %reduce_sum3A_92 = arith.constant dense<0> : vector<256xi32>
      %reduce_sum3A_93 = vector.multi_reduction <add>, %shift_right_arithmetic3A_91, %reduce_sum3A_92 [0] : vector<196x256xi32> to vector<256xi32>
      %broadcast_in_dim3A_94 = vector.shape_cast %reduce_sum3A_93 : vector<256xi32> to vector<1x256xi32>
      %mul3A_95 = arith.constant -256 : i32
      %mul3A_96 = vector.broadcast %mul3A_95 : i32 to vector<1x256xi32>
      %mul3A_97 = arith.muli %broadcast_in_dim3A_94, %mul3A_96 : vector<1x256xi32>
      %add3A_98 = arith.addi %mul3A_97, %iota3A_2 : vector<1x256xi32>
      %swap3A_99 = arith.index_cast %add3A_83 : i32 to index
      %swap3A_100 = arith.constant 0 : index
      %swap3A_101 = vector.load %arg1[%swap3A_99, %swap3A_100] : memref<196x256xi32, #tpu.memory_space<vmem>>, vector<1x256xi32>
      tpu.vector_store %arg1[%swap3A_99, %swap3A_100], %add3A_98 {strides = array<i32>} : memref<196x256xi32, #tpu.memory_space<vmem>>, vector<1x256xi32>,
      %mul3A_102 = arith.constant 7 : i32
      %mul3A_103 = arith.muli %scan3A_14, %mul3A_102 : i32
      %add3A_104 = arith.constant 4 : i32
      %add3A_105 = arith.addi %mul3A_103, %add3A_104 : i32
      %get3A_106 = arith.index_cast %add3A_105 : i32 to index
      %get3A_107 = arith.constant 0 : index
      %get3A_108 = vector.load %arg2[%get3A_106, %get3A_107] : memref<196x256xi32, #tpu.memory_space<vmem>>, vector<1x256xi32>
      %sub3A_109 = vector.broadcast %get3A_108 : vector<1x256xi32> to vector<196x256xi32>
      %sub3A_110 = arith.subi %get3A_17, %sub3A_109 : vector<196x256xi32>
      %shift_right_arithmetic3A_111 = arith.constant 31 : i32
      %shift_right_arithmetic3A_112 = vector.broadcast %shift_right_arithmetic3A_111 : i32 to vector<196x256xi32>
      %shift_right_arithmetic3A_113 = arith.shrsi %sub3A_110, %shift_right_arithmetic3A_112 : vector<196x256xi32>
      %reduce_sum3A_114 = arith.constant dense<0> : vector<256xi32>
      %reduce_sum3A_115 = vector.multi_reduction <add>, %shift_right_arithmetic3A_113, %reduce_sum3A_114 [0] : vector<196x256xi32> to vector<256xi32>
      %broadcast_in_dim3A_116 = vector.shape_cast %reduce_sum3A_115 : vector<256xi32> to vector<1x256xi32>
      %mul3A_117 = arith.constant -256 : i32
      %mul3A_118 = vector.broadcast %mul3A_117 : i32 to vector<1x256xi32>
      %mul3A_119 = arith.muli %broadcast_in_dim3A_116, %mul3A_118 : vector<1x256xi32>
      %add3A_120 = arith.addi %mul3A_119, %iota3A_2 : vector<1x256xi32>
      %swap3A_121 = arith.index_cast %add3A_105 : i32 to index
      %swap3A_122 = arith.constant 0 : index
      %swap3A_123 = vector.load %arg1[%swap3A_121, %swap3A_122] : memref<196x256xi32, #tpu.memory_space<vmem>>, vector<1x256xi32>
      tpu.vector_store %arg1[%swap3A_121, %swap3A_122], %add3A_120 {strides = array<i32>} : memref<196x256xi32, #tpu.memory_space<vmem>>, vector<1x256xi32>,
      %mul3A_124 = arith.constant 7 : i32
      %mul3A_125 = arith.muli %scan3A_14, %mul3A_124 : i32
      %add3A_126 = arith.constant 5 : i32
      %add3A_127 = arith.addi %mul3A_125, %add3A_126 : i32
      %get3A_128 = arith.index_cast %add3A_127 : i32 to index
      %get3A_129 = arith.constant 0 : index
      %get3A_130 = vector.load %arg2[%get3A_128, %get3A_129] : memref<196x256xi32, #tpu.memory_space<vmem>>, vector<1x256xi32>
      %sub3A_131 = vector.broadcast %get3A_130 : vector<1x256xi32> to vector<196x256xi32>
      %sub3A_132 = arith.subi %get3A_17, %sub3A_131 : vector<196x256xi32>
      %shift_right_arithmetic3A_133 = arith.constant 31 : i32
      %shift_right_arithmetic3A_134 = vector.broadcast %shift_right_arithmetic3A_133 : i32 to vector<196x256xi32>
      %shift_right_arithmetic3A_135 = arith.shrsi %sub3A_132, %shift_right_arithmetic3A_134 : vector<196x256xi32>
      %reduce_sum3A_136 = arith.constant dense<0> : vector<256xi32>
      %reduce_sum3A_137 = vector.multi_reduction <add>, %shift_right_arithmetic3A_135, %reduce_sum3A_136 [0] : vector<196x256xi32> to vector<256xi32>
      %broadcast_in_dim3A_138 = vector.shape_cast %reduce_sum3A_137 : vector<256xi32> to vector<1x256xi32>
      %mul3A_139 = arith.constant -256 : i32
      %mul3A_140 = vector.broadcast %mul3A_139 : i32 to vector<1x256xi32>
      %mul3A_141 = arith.muli %broadcast_in_dim3A_138, %mul3A_140 : vector<1x256xi32>
      %add3A_142 = arith.addi %mul3A_141, %iota3A_2 : vector<1x256xi32>
      %swap3A_143 = arith.index_cast %add3A_127 : i32 to index
      %swap3A_144 = arith.constant 0 : index
      %swap3A_145 = vector.load %arg1[%swap3A_143, %swap3A_144] : memref<196x256xi32, #tpu.memory_space<vmem>>, vector<1x256xi32>
      tpu.vector_store %arg1[%swap3A_143, %swap3A_144], %add3A_142 {strides = array<i32>} : memref<196x256xi32, #tpu.memory_space<vmem>>, vector<1x256xi32>,
      %mul3A_146 = arith.constant 7 : i32
      %mul3A_147 = arith.muli %scan3A_14, %mul3A_146 : i32
      %add3A_148 = arith.constant 6 : i32
      %add3A_149 = arith.addi %mul3A_147, %add3A_148 : i32
      %get3A_150 = arith.index_cast %add3A_149 : i32 to index
      %get3A_151 = arith.constant 0 : index
      %get3A_152 = vector.load %arg2[%get3A_150, %get3A_151] : memref<196x256xi32, #tpu.memory_space<vmem>>, vector<1x256xi32>
      %sub3A_153 = vector.broadcast %get3A_152 : vector<1x256xi32> to vector<196x256xi32>
      %sub3A_154 = arith.subi %get3A_17, %sub3A_153 : vector<196x256xi32>
      %shift_right_arithmetic3A_155 = arith.constant 31 : i32
      %shift_right_arithmetic3A_156 = vector.broadcast %shift_right_arithmetic3A_155 : i32 to vector<196x256xi32>
      %shift_right_arithmetic3A_157 = arith.shrsi %sub3A_154, %shift_right_arithmetic3A_156 : vector<196x256xi32>
      %reduce_sum3A_158 = arith.constant dense<0> : vector<256xi32>
      %reduce_sum3A_159 = vector.multi_reduction <add>, %shift_right_arithmetic3A_157, %reduce_sum3A_158 [0] : vector<196x256xi32> to vector<256xi32>
      %broadcast_in_dim3A_160 = vector.shape_cast %reduce_sum3A_159 : vector<256xi32> to vector<1x256xi32>
      %mul3A_161 = arith.constant -256 : i32
      %mul3A_162 = vector.broadcast %mul3A_161 : i32 to vector<1x256xi32>
      %mul3A_163 = arith.muli %broadcast_in_dim3A_160, %mul3A_162 : vector<1x256xi32>
      %add3A_164 = arith.addi %mul3A_163, %iota3A_2 : vector<1x256xi32>
      %swap3A_165 = arith.index_cast %add3A_149 : i32 to index
      %swap3A_166 = arith.constant 0 : index
      %swap3A_167 = vector.load %arg1[%swap3A_165, %swap3A_166] : memref<196x256xi32, #tpu.memory_space<vmem>>, vector<1x256xi32>
      tpu.vector_store %arg1[%swap3A_165, %swap3A_166], %add3A_164 {strides = array<i32>} : memref<196x256xi32, #tpu.memory_space<vmem>>, vector<1x256xi32>,
    }
    %scan3A_13 = arith.constant 28 : i32
    return
  }
}

</mosaic_0001>

<sc_bundles>
// kernel: kernel.4.cloned.1.call-start
scs
__scs_entry_jumppad:
0x0: {  	(pc) =	sbr.rel $0x88, $3  }
0x1: {  	(tag) =	ssettag $0x0;
	lr =	simm.s32 $0x1  }
0x2: {  	[smem:$0x3F9F] =	sst lr;
	_ =	strace $0xD0000000  }
0x3: {  	_ = 	snop  }
0x4: {  	_ = 	snop  }
0x5: {  	_ = 	snop  }
0x6: {  	_ = 	snop  }
0x7: {  	_ = 	snop  }
__scs_overlays_trampoline_lowered:
0x8: {  	[smem:$0x3FAE] =	sst s0  }
0x9: {  	[smem:$0x3FAF] =	sst s1  }
0xa: {  	[smem:$0x3FB0] =	sst s2  }
0xb: {  	[smem:$0x3FB1] =	sst s3  }
0xc: {  	[smem:$0x3FB2] =	sst s4  }
0xd: {  	[smem:$0x3FB3] =	sst s5  }
0xe: {  	[smem:$0x3FB4] =	sst s6  }
0xf: {  	[smem:$0x3FB5] =	sst s7  }
0x10: {  	[smem:$0x3FB6] =	sst s8  }
0x11: {  	[smem:$0x3FB7] =	sst s9;
	s0 =	simm.s32 @!p0 $0x0  }
0x12: {  	s1 =	sld [smem:$0x3F9D];
	s0 =	simm.s32 @p0 $0x1  }
0x13: {  	[smem:$0x3FB8] =	sst s0;
	s0 =	simm.s32 @!p1 $0x0  }
0x14: {  	s2 =	sld [smem:$0x3F9C];
	s0 =	simm.s32 @p1 $0x1  }
0x15: {  	[smem:$0x3FB9] =	sst s0;
	s0 =	simm.s32 @!p2 $0x0  }
0x16: {  	s3 =	sld [smem:$0x3FDB];
	s0 =	simm.s32 @p2 $0x1  }
0x17: {  	s4 =	simm.s32 $0x1BF5;
	[smem:$0x3FBB] =	sst s0  }
0x18: {  	s0 =	sld [smem:$0x3F9E];
	_ =	swait.ge [sflag:s4], $0x0  }
0x19: {  	s7 =	sld [smem:$0x3F9F]  }
0x1a: {  	s8 =	sadd.s32 $0xFFFFE003, lr  }
0x1b: {  	s9 =	sadd.s32 $0xFFFFFEF7, lr;
	s5 =	simm.s32 $0xFFFFFFFF;
	p2 =	slt.u32 s8, $0xFFFFF086  }
0x1c: {  	p1 =	slt.u32 s9, $0xF7A;
	s5 =	simm.s32 @!p2 $0x0  }
0x1d: {  	s5 =	simm.s32 @p1 $0x1;
	p0 =	seq.s32 s7, s2  }
0x1e: {  	s7 =	smul.u32 @!p0 $0xF7A, s2;
	p2 =	seq.s32 @!p0 s5, $0x0  }
0x1f: {  	s9 =	smul.u32 $0xF7A, s1;
	s8 =	simm.s32 @!p0 $0x1BF5;
	p2 =	por !p2, p0  }
0x20: {  	[sflag:s8] =	ssyncset.s32 @!p0 $0xFFFFF086;
	s6 =	sadd.s32 @!p0 s3, s7;
	s7 =	simm.s32 @!p0 $0x108  }
0x21: {  	s3 =	sadd.s32 s3, s9;
	s6 =	sadd.s32 @!p0 $0x88, s6;
	s7 =	simm.s32 @p2 $0x1082  }
0x22: {  	[simem:s7], [sflag:s8] =	dma.local @!p0 [hbm:s6], $0xF7A  }
0x23: {  	s9 =	sor.u32 $0xD0000000, s2;
	s6 =	simm.s32 $0x108;
	_ =	swait.ge @!p0 [sflag:s8], $0x0  }
0x24: {  	s3 =	sadd.s32 $0x88, s3;
	s6 =	simm.s32 @!p1 $0x1082;
	[sflag:s4] =	ssyncset.s32 $0xFFFFF086  }
0x25: {  	[simem:s6], [sflag:s4] =	dma.local [hbm:s3], $0xF7A  }
0x26: {  	[smem:$0x3F9F] =	sst s1;
	(tag) =	ssettag s2;
	_ =	strace s9  }
0x27: {  	s1 =	sld [smem:$0x3FAF]  }
0x28: {  	s2 =	sld [smem:$0x3FB0]  }
0x29: {  	s4 =	sld [smem:$0x3FB2]  }
0x2a: {  	p0 =	seq.s32 s5, $0x0;
	s5 =	sld [smem:$0x3FB3]  }
0x2b: {  	s6 =	sld [smem:$0x3FB4]  }
0x2c: {  	s7 =	sld [smem:$0x3FB5]  }
0x2d: {  	s3 =	simm.s32 $0x108;
	s8 =	sld [smem:$0x3FB6]  }
0x2e: {  	s3 =	simm.s32 @!p0 $0x1082;
	s9 =	sld [smem:$0x3FB7]  }
0x2f: {  	lr =	sadd.s32 s0, s3;
	s0 =	sld [smem:$0x3FAE]  }
0x30: {  	s3 =	sld [smem:$0x3FB1]  }
0x31: {  	[smem:$0x3FBA] =	sst s10  }
0x32: {  	s10 =	sld [smem:$0x3FB8];
	_ =	sdelay $0x3  }
0x33: {  	p0 =	seq.s32 s10, $0x1;
	s10 =	sld [smem:$0x3FBA];
	_ =	sdelay $0x3  }
0x34: {  	[smem:$0x3FBA] =	sst s10  }
0x35: {  	s10 =	sld [smem:$0x3FB9];
	_ =	sdelay $0x3  }
0x36: {  	p1 =	seq.s32 s10, $0x1;
	s10 =	sld [smem:$0x3FBA];
	_ =	sdelay $0x3  }
0x37: {  	[smem:$0x3FBA] =	sst s10  }
0x38: {  	s10 =	sld [smem:$0x3FBB]  }
0x39: {  	_ = 	snop;
	(pc) =	sbr.ind lr, $3  }
0x3a: {  	_ = 	snop  }
0x3b: {  	_ = 	snop  }
0x3c: {  	p2 =	seq.s32 s10, $0x1;
	s10 =	sld [smem:$0x3FBA]  }
0x3d: {  	_ =	shalt  }
0x3e: {  	_ =	shalt  }
0x3f: {  	_ =	shalt  }
0x40: {  	_ =	shalt  }
0x41: {  	_ =	shalt  }
0x42: {  	_ =	shalt  }
0x43: {  	_ =	shalt  }
0x44: {  	_ =	shalt  }
0x45: {  	_ =	shalt  }
0x46: {  	_ =	shalt  }
0x47: {  	_ =	shalt  }
0x48: {  	_ =	shalt  }
0x49: {  	_ =	shalt  }
0x4a: {  	_ =	shalt  }
0x4b: {  	_ =	shalt  }
0x4c: {  	_ =	shalt  }
0x4d: {  	_ =	shalt  }
0x4e: {  	_ =	shalt  }
0x4f: {  	_ =	shalt  }
0x50: {  	_ =	shalt  }
0x51: {  	_ =	shalt  }
0x52: {  	_ =	shalt  }
0x53: {  	_ =	shalt  }
0x54: {  	_ =	shalt  }
0x55: {  	_ =	shalt  }
0x56: {  	_ =	shalt  }
0x57: {  	_ =	shalt  }
0x58: {  	_ =	shalt  }
0x59: {  	_ =	shalt  }
0x5a: {  	_ =	shalt  }
0x5b: {  	_ =	shalt  }
0x5c: {  	_ =	shalt  }
0x5d: {  	_ =	shalt  }
0x5e: {  	_ =	shalt  }
0x5f: {  	_ =	shalt  }
0x60: {  	_ =	shalt  }
0x61: {  	_ =	shalt  }
0x62: {  	_ =	shalt  }
0x63: {  	_ =	shalt  }
0x64: {  	_ =	shalt  }
0x65: {  	_ =	shalt  }
0x66: {  	_ =	shalt  }
0x67: {  	_ =	shalt  }
0x68: {  	_ =	shalt  }
0x69: {  	_ =	shalt  }
0x6a: {  	_ =	shalt  }
0x6b: {  	_ =	shalt  }
0x6c: {  	_ =	shalt  }
0x6d: {  	_ =	shalt  }
0x6e: {  	_ =	shalt  }
0x6f: {  	_ =	shalt  }
0x70: {  	_ =	shalt  }
0x71: {  	_ =	shalt  }
0x72: {  	_ =	shalt  }
0x73: {  	_ =	shalt  }
0x74: {  	_ =	shalt  }
0x75: {  	_ =	shalt  }
0x76: {  	_ =	shalt  }
0x77: {  	_ =	shalt  }
0x78: {  	_ =	shalt  }
0x79: {  	_ =	shalt  }
0x7a: {  	_ =	shalt  }
0x7b: {  	_ =	shalt  }
0x7c: {  	_ =	shalt  }
0x7d: {  	_ =	shalt  }
0x7e: {  	_ =	shalt  }
0x7f: {  	_ =	shalt  }
0x80: {  	_ =	shalt  }
0x81: {  	_ =	shalt  }
0x82: {  	_ =	shalt  }
0x83: {  	_ =	shalt  }
0x84: {  	_ =	shalt  }
0x85: {  	_ =	shalt  }
0x86: {  	_ =	shalt  }
0x87: {  	_ =	shalt  }
.Lfunc_end0:
.L_simem_size_0:
called_computation_lowered:
.L_overlay_start_0:
0x88: {  	s2 =	sld [smem:$0x3FD9]  }
0x89: {  	s3 =	sld [smem:$0x3FFE];
	_ =	sdelay $0x1  }
0x8a: {  	s1 =	srdreg.scid  }
0x8b: {  	s0 =	sand.u32 $0x1, s1  }
0x8c: {  	s17 =	sshll.u32 s0, $0xA;
	s2 =	sadd.s32 s3, s2  }
0x8d: {  	s2 =	sadd.s32 s2, s17  }
0x8e: {  	[smem:$0x3FC6] =	sst s2  }
0x8f: {  	_ = 	snop  }
0x90: {  	s2 =	sld [smem:$0x3FC9]  }
0x91: {  	s18 =	sld [smem:$0x3FD0];
	(tm) =	ssettm $0x1  }
0x92: {  	s4 =	sld [smem:$0x3FFB];
	_ =	sdelay $0x3  }
0x93: {  	_ =	strace s4  }
0x94: {  	s4 =	sld [smem:$0x3FFC];
	_ =	sdelay $0x3  }
0x95: {  	_ =	strace s4  }
0x96: {  	s4 =	sld [smem:$0x3FFD];
	_ =	sdelay $0x3  }
0x97: {  	_ =	strace s4  }
0x98: {  	_ =	strace $0x8FFFFFFF  }
0x99: {  	s19 =	sld [smem:$0x3FDB];
	_ =	sdelay $0x1  }
0x9a: {  	s5 =	simm.s32 $_scs_section_size  }
0x9b: {  	s6 =	simm.s32 $_size__tile_overlayer_lowered;
	s7 =	simm.s32 $_tile_overlayer_lowered  }
0x9c: {  	s22 =	simm.s32 $0x1BFF;
	s21 =	sshll.u32 s7, $0x1;
	s4 =	sadd.s32 s5, s19  }
0x9d: {  	s8 =	simm.s32 $0x0;
	s20 =	sshll.u32 s6, $0x1;
	s6 =	sadd.s32 s21, s4  }
0x9e: {  	[timem:s8], [sflag:s22] =	dma.local [hbm:s6], s20  }
0x9f: {  	_ =	swait.ge [sflag:s22], s20  }
0xa0: {  	s5 =	ssub.s32 $0x0, s20;
	[sflag:s22] =	ssyncset.done $0x0  }
0xa1: {  	[sflag:s22] =	ssyncadd.s32 s5;
	_ =	sdelay $0x1  }
0xa2: {  	s23 =	simm.s32 $0x1B8B  }
0xa3: {  	_ =	swait.ge [sflag:s23], $0x1  }
0xa4: {  	[sflag:s23] =	ssyncset.done $0x0  }
0xa5: {  	s25 =	simm.s32 $0x1B8E;
	s24 =	sld [smem:$0x3FFE];
	[sflag:s23] =	ssyncadd.s32 $0xFFFFFFFF  }
0xa6: {  	s26 =	simm.s32 $execute0_lowered;
	[smem:$0x3FD2] =	sst s25  }
0xa7: {  	s6 =	sshll.u32 s26, $0x1;
	_ =	strace $0x80000046;
	[dreg:$0x1] =	wrdreg $0xFFFFFFFF  }
0xa8: {  	s28 =	simm.s32 $_size_execute0_lowered;
	s4 =	sadd.s32 s4, s6;
	[dreg:$0x0] =	wrdreg $0x0  }
0xa9: {  	s6 =	sshll.u32 s28, $0x1;
	[dreg:$0x2] =	wrdreg s4  }
0xaa: {  	[dreg:$0x3] =	wrdreg s6  }
0xab: {  	[dreg:$0x4] =	wrdreg $0xC0  }
0xac: {  	_ =	task [dreg:s8], $0x5FFFF  }
0xad: {  	[dreg:$0x1] =	wrdreg $0xFFFFFFFF  }
0xae: {  	[dreg:$0x0] =	wrdreg $0x60  }
0xaf: {  	[dreg:$0x2] =	wrdreg s2  }
0xb0: {  	[dreg:$0x3] =	wrdreg s24  }
0xb1: {  	[dreg:$0x4] =	wrdreg s18  }
0xb2: {  	[dreg:$0x5] =	wrdreg $0x9  }
0xb3: {  	_ =	task.clear_ibuf [dreg:s8], $0x6FFFF;
	_ =	strace $0x90000046  }
0xb4: {  	s29 =	simm.s32 $0x9;
	_ =	strace $0x80000048  }
0xb5: {  	_ =	swait.ge [sflag:s29], $0x1  }
0xb6: {  	[sflag:s29] =	ssyncadd.s32 $0xFFFFFFFF  }
0xb7: {  	_ =	strace $0x90000048  }
0xb8: {  	_ =	sfence  }
0xb9: {  	s30 =	sld [smem:$0x0];
	_ =	sdelay $0x2  }
0xba: {  	s31 =	sshll.u32 s1, $0xD;
	s1 =	sshrl.u32 s1, $0x2  }
0xbb: {  	s3 =	sand.u32 $0x4000, s31;
	s1 =	sadd.s32 s1, s30  }
0xbc: {  	s0 =	sor.u32 s3, s0;
	s1 =	sshll.u32 s1, $0x11  }
0xbd: {  	s0 =	sor.u32 s1, s0  }
0xbe: {  	s0 =	sadd.s32 $0x8F2B, s0  }
0xbf: {  	[sflag:s0] =	ssyncadd.remote.s32 $0x1  }
0xc0: {  	_ =	sfence.sel $0xFFFF  }
0xc1: {  	[dreg:$0x0] =	wrdreg $0xFFFFFFFF;
	(pc) =	sbr.abs _section_cstart, $3  }
0xc2: {  	[dreg:$0x1] =	wrdreg $0xFFFFFFFF  }
0xc3: {  	_ =	task.clear_ibuf [dreg:s8], $0x2FFFF;
	_ =	strace $0x9FFFFFFF  }
0xc4: {  	(tm) =	ssettm $0x7FFFFFFF  }
0xc5: {  	_ =	shalt  }
tec
execute0_lowered:
.L_overlay_start_1:
0x0: {  	(tag) =	ssettag $0x1  }
0x1: {  	s10 =	rddreg [dreg:$0x0]  }
0x2: {  	s1 =	srdreg.scid;
	s5 =	rddreg [dreg:$0x1]  }
0x3: {  	s0 =	stileid.u32;
	s2 =	rddreg [dreg:$0x2];
	s3 =	simm.s32 $0x0  }
0x4: {  	s12 =	simm.s32 $0x1C00;
	s13 =	simm.s32 $0x7C00;
	s14 =	simm.s32 $0x8  }
0x5: {  	s15 =	simm.s32 $0x5;
	s16 =	simm.s32 $0x0;
	s4 =	sand.u32 $0x1, s1  }
0x6: {  	s29 =	sshll.u32 s0, $0x1;
	s1 =	rddreg [dreg:$0x3];
	s8 =	smul.u32 $0xC40, s0  }
0x7: {  	[smem:$0x7FF] =	sst s3;
	s6 =	sor.u32 s4, s29;
	s9 =	smul.u32 $0x620, s4  }
0x8: {  	_ =	strace $0x80000047;
	s4 =	ssub.s32 $0x2, s4;
	s7 =	smul.u32 $0x620, s6  }
0x9: {  	s6 =	smul.u32 $0x380, s6;
	s30 =	sshrl.u32 s4, $0x1;
	s8 =	sadd.s32 s9, s8  }
0xa: {  	s31 =	ssub.s32 s4, s30;
	s7 =	sshrl.u32 s7, $0x3;
	s8 =	sadd.s32 $0x40, s8  }
0xb: {  	s5 =	sadd.s32 s6, s5;
	s7 =	smul.u32 $0x300, s7;
	s8 =	sshrl.u32 s8, $0x3  }
0xc: {  	v2 =	vlaneseq.u32;
	s9 =	smax.u32 s31, $0x1;
	s5 =	sadd.s32 $0x600, s5;
	s11 =	smul.u32 $0x300, s8  }
0xd: {  	vm0 =	vmmov $0xffff;
	v1 =	vshrl.u32 v2, $0x3;
	s8 =	sadd.s32 $0x200, s2;
	s4 =	sadd.s32 s10, s7;
	s7 =	sadd.s32 $0x100, s2  }
0xe: {  	v0 =	vand.u32 $0x7, v2;
	v2 =	vor.u32 $0x8, v2;
	v1 =	vmul.u32 $0x8, v1;
	s6 =	sadd.s32 $0xC00, s4;
	s10 =	sadd.s32 s11, s10;
	s11 =	simm.s32 $0x9  }
.LBB2_1:
0xf: {  	[tilespmem:s3], [sflag:$0x9] =	stream.linear.gather [hbm4b:s5+s3], $0x1880, $0x38;
	[tilespmem:$0x19C00] =	vst v63  }
0x10: {  	_ =	swait.ge [sflag:s11], $0x1880  }
0x11: {  	[sflag:s11] =	ssyncset.done $0x0  }
0x12: {  	[sflag:s11] =	ssyncadd.s32 $0xFFFFE780  }
0x13: {  	[tilespmem:s12], [sflag:$0x1] =	stream.linear.gather [hbm4b:s4+s3], $0x6000, $0x38;
	[tilespmem:$0x19C00] =	vst v63  }
0x14: {  	s17 =	simm.s32 $0x10;
	s18 =	smov.u32 s10;
	s19 =	simm.s32 $0x0  }
0x15: {  	[tilespmem:s13], [sflag:$0x2] =	stream.linear.gather [hbm4b:s6+s3], $0x6000, $0x38;
	[tilespmem:$0x19C00] =	vst v63  }
.LBB2_2:
0x16: {  	s20 =	sadd.s32 $0x2, s19  }
0x17: {  	p0 =	slt.u32 s19, $0x2;
	s20 =	sand.u32 $0x3, s20  }
0x18: {  	s21 =	sadd.s32 @!p0 $0x5, s20  }
0x19: {  	p1 =	sgt.u32 @!p0 s19, $0x2E;
	_ =	swait.ge @!p0 [sflag:s21], $0x6000  }
0x1a: {  	p1 =	por p0, !p1;
	[sflag:s21] =	ssyncset.done @!p0 $0x0  }
0x1b: {  	[sflag:s21] =	ssyncadd.s32 @!p0 $0xFFFFA000;
	s21 =	smul.u32 @p1 $0x18000, s20;
	_ =	sdelay $0x1  }
0x1c: {  	s26 =	sand.u32 $0x3, s19;
	s21 =	sshrl.u32 @p1 s21, $0x2  }
0x1d: {  	s28 =	sadd.s32 $0x1, s26;
	s20 =	sadd.s32 @p1 $0x1, s20;
	s21 =	sor.u32 @p1 $0x1C00, s21  }
0x1e: {  	[tilespmem:s21], [sflag:s20] =	stream.linear.gather @p1 [hbm4b:s18+s3], $0x6000, $0x38;
	[tilespmem:$0x19C00] =	vst v63  }
0x1f: {  	_ =	swait.ge [sflag:s28], $0x6000  }
0x20: {  	[sflag:s28] =	ssyncset.done $0x0  }
0x21: {  	[sflag:s28] =	ssyncadd.s32 $0xFFFFA000  }
0x22: {  	v3 =	vld [tilespmem:s17+$0xFFFFFFF0];
	_ =	sdelay $0x4  }
0x23: {  	v4 =	vshrl.u32 v3, $0x3  }
0x24: {  	v4 =	vmul.u32 $0x30, v4  }
0x25: {  	v3 =	vand.u32 $0x7, v3  }
0x26: {  	v3 =	vor.u32 v3, v4  }
0x27: {  	v4 =	vperm.xlane v3, v0;
	_ =	sdelay $0x1  }
0x28: {  	v4 =	vadd.s32 v1, v4  }
0x29: {  	s29 =	smul.u32 $0x18000, s26;
	_ =	sdelay $0x1  }
0x2a: {  	s21 =	sshrl.u32 s29, $0x2  }
0x2b: {  	s20 =	sadd.s32 $0x5, s26;
	s22 =	sor.u32 $0x1C00, s21;
	v3 =	vperm.xlane v3, v2  }
0x2c: {  	[hbm4b:s2+s3] =	stream.indirect_vreg.scatter [tilespmem:s22], [sflag:s20], $0x80, v4, vm0, $0xb8;
	[tilespmem:$0x19C00] =	vst v63  }
0x2d: {  	s30 =	sadd.s32 $0x2400, s21;
	v3 =	vadd.s32 v1, v3  }
0x2e: {  	[hbm4b:s7+s3] =	stream.indirect_vreg.scatter [tilespmem:s30], [sflag:s20], $0x80, v4, vm0, $0xb8;
	[tilespmem:$0x19C00] =	vst v63  }
0x2f: {  	s31 =	sadd.s32 $0x2C00, s21  }
0x30: {  	[hbm4b:s8+s3] =	stream.indirect_vreg.scatter [tilespmem:s31], [sflag:s20], $0x80, v4, vm0, $0xb8;
	[tilespmem:$0x19C00] =	vst v63  }
0x31: {  	s23 =	sadd.s32 $0x3400, s21  }
0x32: {  	[hbm4b:s2+s3] =	stream.indirect_vreg.scatter [tilespmem:s23], [sflag:s20], $0x80, v3, vm0, $0xb8;
	[tilespmem:$0x19C00] =	vst v63  }
0x33: {  	s24 =	sadd.s32 $0x3C00, s21  }
0x34: {  	[hbm4b:s7+s3] =	stream.indirect_vreg.scatter [tilespmem:s24], [sflag:s20], $0x80, v3, vm0, $0xb8;
	[tilespmem:$0x19C00] =	vst v63  }
0x35: {  	s25 =	sadd.s32 $0x4400, s21  }
0x36: {  	[hbm4b:s8+s3] =	stream.indirect_vreg.scatter [tilespmem:s25], [sflag:s20], $0x80, v3, vm0, $0xb8;
	[tilespmem:$0x19C00] =	vst v63  }
0x37: {  	v3 =	vld [tilespmem:s17+$0x0];
	_ =	sdelay $0x4  }
0x38: {  	v63 =	vshrl.u32 v3, $0x3  }
0x39: {  	v4 =	vmul.u32 $0x30, v63  }
0x3a: {  	v3 =	vand.u32 $0x7, v3  }
0x3b: {  	v3 =	vor.u32 v3, v4  }
0x3c: {  	v4 =	vperm.xlane v3, v0;
	_ =	sdelay $0x1  }
0x3d: {  	v4 =	vadd.s32 v1, v4;
	_ =	sdelay $0x3  }
0x3e: {  	s26 =	sadd.s32 $0x4C00, s21;
	v3 =	vperm.xlane v3, v2  }
0x3f: {  	[hbm4b:s2+s3] =	stream.indirect_vreg.scatter [tilespmem:s26], [sflag:s20], $0x80, v4, vm0, $0xb8;
	[tilespmem:$0x19C00] =	vst v63  }
0x40: {  	s28 =	sadd.s32 $0x5400, s21;
	v3 =	vadd.s32 v1, v3  }
0x41: {  	[hbm4b:s7+s3] =	stream.indirect_vreg.scatter [tilespmem:s28], [sflag:s20], $0x80, v4, vm0, $0xb8;
	[tilespmem:$0x19C00] =	vst v63  }
0x42: {  	s19 =	sadd.s32 $0x1, s19;
	s29 =	sadd.s32 $0x5C00, s21  }
0x43: {  	[hbm4b:s8+s3] =	stream.indirect_vreg.scatter [tilespmem:s29], [sflag:s20], $0x80, v4, vm0, $0xb8;
	[tilespmem:$0x19C00] =	vst v63  }
0x44: {  	p0 =	sne.s32 s19, $0x31;
	s30 =	sadd.s32 $0x6400, s21  }
0x45: {  	[hbm4b:s2+s3] =	stream.indirect_vreg.scatter [tilespmem:s30], [sflag:s20], $0x80, v3, vm0, $0xb8;
	[tilespmem:$0x19C00] =	vst v63  }
.Ltmp0:
0x46: {  	_ = 	snop;
	(pc) =	sbr.rel @p0 .LBB2_2-.Ltmp0, $4  }
0x47: {  	s31 =	sadd.s32 $0x6C00, s21  }
0x48: {  	[hbm4b:s7+s3] =	stream.indirect_vreg.scatter [tilespmem:s31], [sflag:s20], $0x80, v3, vm0, $0xb8;
	[tilespmem:$0x19C00] =	vst v63  }
0x49: {  	s18 =	sadd.s32 $0xC00, s18;
	s21 =	sadd.s32 $0x7400, s21;
	s17 =	sadd.s32 $0x80, s17  }
0x4a: {  	[hbm4b:s8+s3] =	stream.indirect_vreg.scatter [tilespmem:s21], [sflag:s20], $0x80, v3, vm0, $0xb8;
	[tilespmem:$0x19C00] =	vst v63  }
0x4b: {  	s16 =	sadd.s32 $0x1, s16  }
0x4c: {  	_ =	swait.ge [sflag:s14], $0x6000;
	p0 =	sne.s32 s16, s9  }
.Ltmp1:
0x4d: {  	[sflag:s14] =	ssyncset.done $0x0;
	(pc) =	sbr.rel @p0 .LBB2_1-.Ltmp1, $4  }
0x4e: {  	[sflag:s14] =	ssyncadd.s32 $0xFFFFA000  }
0x4f: {  	_ =	swait.ge [sflag:s15], $0x6000  }
0x50: {  	[sflag:s15] =	ssyncset.done $0x0  }
0x51: {  	[sflag:s15] =	ssyncadd.s32 $0xFFFFA000  }
0x52: {  	_ =	sfence.sel $0x180000  }
0x53: {  	[bflag:$0x0] =	sbarrier.arrive $0xFFFF  }
0x54: {  	p0 =	sne.s32 s0, $0x0;
	_ =	strace $0x90000047  }
0x55: {  	s0 =	sadd.s32 @!p0 $0x100000, s1;
	[bflag:$0x2] =	sbarrier.arrive $0xFFFF  }
0x56: {  	[sflag:s0] =	ssyncadd.tile.s32 @!p0 $0x1;
	_ =	shalt  }
.Lfunc_end2:
_tile_overlayer_lowered:
.L_overlay_start_2:
0x57: {  	(tag) =	ssettag $0x2  }
0x58: {  	s0 =	rddreg [dreg:$0x0];
	s2 =	stileid.u32  }
0x59: {  	s1 =	rddreg [dreg:$0x1];
	p0 =	sne.s32 s2, $0x0  }
0x5a: {  	s3 =	rddreg [dreg:$0x2];
	[bflag:$0x3] =	sbarrier.arrive $0xFFFF;
	s2 =	simm.s32 @!p0 $0x1C09  }
0x5b: {  	[timem:s3], [sflag:s2] =	dma.local @!p0 [hbm:s0], s1  }
0x5c: {  	s0 =	simm.s32 @!p0 $0x9  }
0x5d: {  	_ =	swait.ge @!p0 [sflag:s0], s1  }
0x5e: {  	s1 =	ssub.s32 @!p0 $0x0, s1;
	[sflag:s0] =	ssyncset.done @!p0 $0x0  }
0x5f: {  	[sflag:s0] =	ssyncadd.s32 @!p0 s1  }
0x60: {  	[bflag:$0x3] =	sbarrier.arrive $0xFFFF  }
0x61: {  	_ =	shalt  }

</sc_bundles>
